<compile_context>
chip_gen: v7x
topology: tpu7x:2x2x1
jax: 0.10.2.dev20260603
libtpu: 0.0.44.dev20260713+nightly
codegen_flags: <defaults>
</compile_context>

<pallas_src>
import jax
import jax.numpy as jnp
from jax import lax
from jax.experimental import pallas as pl
from jax.experimental.pallas import tpu as pltpu
from jax.experimental.pallas import tpu_sc as plsc

TOKENS = 32
VOCAB = 1000000
EPS = 1e-10
CHUNK = 65536
TCGRID = 15
TCV = TCGRID * CHUNK
TAIL = VOCAB - TCV
NSTRIP = TAIL // 16


def _tc_kernel(x_ref, e_ref, t_ref, o_ref, mx_ref, m_ref):
    i = pl.program_id(0)

    @pl.when(i == 0)
    def _init():
        m_ref[...] = jnp.full((TOKENS, 1), -jnp.inf, jnp.float32)
        o_ref[...] = jnp.zeros((TOKENS, 1), jnp.int32)

    x = x_ref[...]
    e = e_ref[...]
    t = t_ref[...]

    noise = jnp.log(e + EPS)
    key = x - t * noise

    idx = jax.lax.broadcasted_iota(jnp.int32, key.shape, 1)
    loc_max = jnp.max(key, axis=1, keepdims=True)
    hit = key == loc_max
    loc_arg = jnp.min(jnp.where(hit, idx, CHUNK), axis=1, keepdims=True)
    loc_arg = loc_arg + i * CHUNK

    better = loc_max > m_ref[...]
    m_ref[...] = jnp.where(better, loc_max, m_ref[...])
    o_ref[...] = jnp.where(better, loc_arg, o_ref[...])
    mx_ref[...] = m_ref[...]


def _noise_kernel(e_ref, n_ref):
    n_ref[...] = jnp.log(e_ref[...] + EPS)


def _sc_tail(x_hbm, n_hbm, t_hbm, mx_hbm, ix_hbm, xv, nv, tv, mxv, ixv):
    c = lax.axis_index("c")
    s = lax.axis_index("s")
    w = c * 16 + s

    pltpu.sync_copy(x_hbm.at[w], xv)
    pltpu.sync_copy(n_hbm.at[0], nv)
    pltpu.sync_copy(t_hbm.at[w], tv)
    il = lax.broadcasted_iota(jnp.int32, (16,), 0)
    t = tv[pl.ds(0, 16)]

    def body(g, carry):
        m, bi = carry
        for u in range(4):
            j = g * 4 + u
            xk = xv[pl.ds(j * 16, 16)]
            nk = nv[pl.ds(j * 16, 16)]
            key = xk - t * nk
            upd = key > m
            m = jnp.where(upd, key, m)
            bi = jnp.where(upd, il * 0 + j, bi)
        return m, bi

    m0 = jnp.full((16,), -jnp.inf, jnp.float32)
    b0 = jnp.zeros((16,), jnp.int32)
    m, bi = lax.fori_loop(0, NSTRIP // 4, body, (m0, b0))

    mxv[...] = m
    ixv[...] = bi * 16 + il + TCV
    pltpu.sync_copy(mxv, mx_hbm.at[w])
    pltpu.sync_copy(ixv, ix_hbm.at[w])


@jax.jit
def kernel(logits, temperatures, exponential):
    t = temperatures[:, None].astype(jnp.float32)

    x_tail = lax.slice(logits, (0, TCV), (TOKENS, VOCAB))
    e_tail = lax.slice(exponential, (0, TCV), (1, VOCAB))

    n_tail = pl.pallas_call(
        _noise_kernel,
        out_shape=jax.ShapeDtypeStruct((1, TAIL), jnp.float32),
    )(e_tail)

    sc = pl.kernel(
        _sc_tail,
        out_type=[
            jax.ShapeDtypeStruct((TOKENS, 16), jnp.float32),
            jax.ShapeDtypeStruct((TOKENS, 16), jnp.int32),
        ],
        scratch_types=[
            pltpu.VMEM((TAIL,), jnp.float32),
            pltpu.VMEM((TAIL,), jnp.float32),
            pltpu.VMEM((16,), jnp.float32),
            pltpu.VMEM((16,), jnp.float32),
            pltpu.VMEM((16,), jnp.int32),
        ],
        mesh=plsc.VectorSubcoreMesh(core_axis_name="c", subcore_axis_name="s"),
    )
    tb = jnp.broadcast_to(temperatures.astype(jnp.float32)[:, None], (TOKENS, 16))
    sc_max, sc_idx = sc(x_tail, n_tail, tb)

    tc_arg, tc_max = pl.pallas_call(
        _tc_kernel,
        grid=(TCGRID,),
        in_specs=[
            pl.BlockSpec((TOKENS, CHUNK), lambda i: (0, i)),
            pl.BlockSpec((1, CHUNK), lambda i: (0, i)),
            pl.BlockSpec((TOKENS, 1), lambda i: (0, 0)),
        ],
        out_specs=[
            pl.BlockSpec((TOKENS, 1), lambda i: (0, 0)),
            pl.BlockSpec((TOKENS, 1), lambda i: (0, 0)),
        ],
        out_shape=[
            jax.ShapeDtypeStruct((TOKENS, 1), jnp.int32),
            jax.ShapeDtypeStruct((TOKENS, 1), jnp.float32),
        ],
        scratch_shapes=[pltpu.VMEM((TOKENS, 1), jnp.float32)],
    )(logits, exponential, t)

    lane_best = jnp.max(sc_max, axis=1)
    lane_arg = jnp.min(
        jnp.where(sc_max == lane_best[:, None], sc_idx, VOCAB), axis=1)
    better = lane_best > tc_max[:, 0]
    return jnp.where(better, lane_arg, tc_arg[:, 0]).astype(jnp.int32)

# --- scband reference (transcript-rebuilt; emitter-appended) ---
"""Pipeline reference for scband-sampler-1632087573248 (READ-ONLY COPY).

The authoritative reference and input builder live on the scoring server;
editing this copy changes nothing except your own understanding.
"""

import jax, jax.numpy as jnp
import numpy as np

TOKENS = 32
VOCAB = 1000000
EPS = 1e-10


def setup_inputs(seed: int = 0) -> dict:
    key = jax.random.key(seed)
    k1, k2, k3 = jax.random.split(key, 3)
    logits = jax.random.normal(k1, (TOKENS, VOCAB), dtype=jnp.float32)
    temperatures = jax.random.uniform(k2, (TOKENS,), dtype=jnp.float32)
    # cached per-token exponential noise (shape (1, vocab)), as in get_per_token_exponential
    exponential = jax.random.exponential(k3, (1, VOCAB), dtype=jnp.float32)
    return {"logits": logits, "temperatures": temperatures, "exponential": exponential}


def reference(logits, temperatures, exponential):
    token_num, vocab_size = logits.shape
    exp_full = jnp.broadcast_to(exponential, (token_num, vocab_size))
    # mixed sampling: temperature == 0 -> greedy argmax; temperature > 0 ->
    # probs = softmax(logits / T); sample = argmax(probs / (exponential + eps))
    # (exponential-race / Gumbel-trick sampling with cached noise)
    safe_t = jnp.where(temperatures > 0, temperatures, jnp.ones_like(temperatures))
    probs = jax.nn.softmax(logits / safe_t[:, None], axis=-1)
    scores = probs / (exp_full + EPS)
    random_tokens = jnp.argmax(scores, axis=-1)
    greedy_tokens = jnp.argmax(logits, axis=-1)
    sampled_tokens = jnp.where(temperatures > 0, random_tokens, greedy_tokens).astype(jnp.int32)
    return sampled_tokens

if __name__ == "__main__":
    import jax
    _d = setup_inputs()
    print(jax.jit(kernel)(*tuple(_d.values())))

</pallas_src>

<mosaic_0001>
#map = affine_map<(d0, d1) -> (0, 0)>
module attributes {stable_mosaic.version = 14 : i64} {
  func.func @_sc_tail(%arg0: i32, %arg1: i32, %arg2: memref<32x16960xf32, #tpu.memory_space<hbm>>, %arg3: memref<1x16960xf32, #tpu.memory_space<hbm>>, %arg4: memref<32x16xf32, #tpu.memory_space<hbm>>, %arg5: memref<32x16xf32, #tpu.memory_space<hbm>>, %arg6: memref<32x16xi32, #tpu.memory_space<hbm>>, %arg7: memref<16960xf32, #tpu.memory_space<vmem>>, %arg8: memref<16960xf32, #tpu.memory_space<vmem>>, %arg9: memref<16xf32, #tpu.memory_space<vmem>>, %arg10: memref<16xf32, #tpu.memory_space<vmem>>, %arg11: memref<16xi32, #tpu.memory_space<vmem>>) attributes {dimension_semantics = [#tpu.dimension_semantics<core_parallel>, #tpu.dimension_semantics<subcore_parallel>], iteration_bounds = array<i64: 2, 16>, scalar_prefetch = 0 : i64, scratch_operands = 5 : i64, tpu.core_type = #tpu.core_type<sc_vector_subcore>, window_params = [{transform_indices = #map}, {transform_indices = #map}, {transform_indices = #map}, {transform_indices = #map}, {transform_indices = #map}]} {
    %mul3A = arith.constant 16 : i32
    %mul3A_0 = arith.muli %arg0, %mul3A : i32
    %add3A = arith.addi %mul3A_0, %arg1 : i32
    "tpu.region"() ({
      %run_scoped3A_25 = tpu.sem_alloc : memref<!tpu.dma_semaphore, #tpu.memory_space<semaphore_mem>>
      %dma_start3A = arith.constant 0 : i32
      %dma_start3A_26 = tpu.memref_slice %arg2[%add3A, %dma_start3A] : memref<32x16960xf32, #tpu.memory_space<hbm>> -> memref<1x16960xf32, #tpu.memory_space<hbm>>
      %dma_start3A_27 = tpu.memref_squeeze %dma_start3A_26 : memref<1x16960xf32, #tpu.memory_space<hbm>> -> memref<16960xf32, #tpu.memory_space<hbm>>
      %dma_start3A_28 = arith.constant 0 : i32
      %dma_start3A_29 = tpu.memref_slice %arg2[%add3A, %dma_start3A_28] : memref<32x16960xf32, #tpu.memory_space<hbm>> -> memref<1x16960xf32, #tpu.memory_space<hbm>>
      %dma_start3A_30 = tpu.memref_squeeze %dma_start3A_29 : memref<1x16960xf32, #tpu.memory_space<hbm>> -> memref<16960xf32, #tpu.memory_space<hbm>>
      tpu.enqueue_dma source(%dma_start3A_30 : memref<16960xf32, #tpu.memory_space<hbm>>) target(%arg7 : memref<16960xf32, #tpu.memory_space<vmem>>) target_semaphore(%run_scoped3A_25 : memref<!tpu.dma_semaphore, #tpu.memory_space<semaphore_mem>>)
      %dma_wait3A = arith.constant 0 : i32
      %dma_wait3A_31 = tpu.memref_slice %arg2[%add3A, %dma_wait3A] : memref<32x16960xf32, #tpu.memory_space<hbm>> -> memref<1x16960xf32, #tpu.memory_space<hbm>>
      %dma_wait3A_32 = tpu.memref_squeeze %dma_wait3A_31 : memref<1x16960xf32, #tpu.memory_space<hbm>> -> memref<16960xf32, #tpu.memory_space<hbm>>
      %dma_wait3A_33 = arith.constant 0 : i32
      %dma_wait3A_34 = tpu.memref_slice %arg2[%add3A, %dma_wait3A_33] : memref<32x16960xf32, #tpu.memory_space<hbm>> -> memref<1x16960xf32, #tpu.memory_space<hbm>>
      %dma_wait3A_35 = tpu.memref_squeeze %dma_wait3A_34 : memref<1x16960xf32, #tpu.memory_space<hbm>> -> memref<16960xf32, #tpu.memory_space<hbm>>
      tpu.wait_dma2 semaphore(%run_scoped3A_25 : memref<!tpu.dma_semaphore, #tpu.memory_space<semaphore_mem>>) src(%dma_wait3A_35 : memref<16960xf32, #tpu.memory_space<hbm>>) dst(%arg7 : memref<16960xf32, #tpu.memory_space<vmem>>)
      tpu.yield
    }) : () -> ()
    %run_scoped3A = arith.constant 0 : i32
    "tpu.region"() ({
      %run_scoped3A_25 = tpu.sem_alloc : memref<!tpu.dma_semaphore, #tpu.memory_space<semaphore_mem>>
      %dma_start3A = arith.constant 0 : i32
      %dma_start3A_26 = tpu.memref_slice %arg3[%run_scoped3A, %dma_start3A] : memref<1x16960xf32, #tpu.memory_space<hbm>> -> memref<1x16960xf32, #tpu.memory_space<hbm>>
      %dma_start3A_27 = tpu.memref_squeeze %dma_start3A_26 : memref<1x16960xf32, #tpu.memory_space<hbm>> -> memref<16960xf32, #tpu.memory_space<hbm>>
      %dma_start3A_28 = arith.constant 0 : i32
      %dma_start3A_29 = tpu.memref_slice %arg3[%run_scoped3A, %dma_start3A_28] : memref<1x16960xf32, #tpu.memory_space<hbm>> -> memref<1x16960xf32, #tpu.memory_space<hbm>>
      %dma_start3A_30 = tpu.memref_squeeze %dma_start3A_29 : memref<1x16960xf32, #tpu.memory_space<hbm>> -> memref<16960xf32, #tpu.memory_space<hbm>>
      tpu.enqueue_dma source(%dma_start3A_30 : memref<16960xf32, #tpu.memory_space<hbm>>) target(%arg8 : memref<16960xf32, #tpu.memory_space<vmem>>) target_semaphore(%run_scoped3A_25 : memref<!tpu.dma_semaphore, #tpu.memory_space<semaphore_mem>>)
      %dma_wait3A = arith.constant 0 : i32
      %dma_wait3A_31 = tpu.memref_slice %arg3[%run_scoped3A, %dma_wait3A] : memref<1x16960xf32, #tpu.memory_space<hbm>> -> memref<1x16960xf32, #tpu.memory_space<hbm>>
      %dma_wait3A_32 = tpu.memref_squeeze %dma_wait3A_31 : memref<1x16960xf32, #tpu.memory_space<hbm>> -> memref<16960xf32, #tpu.memory_space<hbm>>
      %dma_wait3A_33 = arith.constant 0 : i32
      %dma_wait3A_34 = tpu.memref_slice %arg3[%run_scoped3A, %dma_wait3A_33] : memref<1x16960xf32, #tpu.memory_space<hbm>> -> memref<1x16960xf32, #tpu.memory_space<hbm>>
      %dma_wait3A_35 = tpu.memref_squeeze %dma_wait3A_34 : memref<1x16960xf32, #tpu.memory_space<hbm>> -> memref<16960xf32, #tpu.memory_space<hbm>>
      tpu.wait_dma2 semaphore(%run_scoped3A_25 : memref<!tpu.dma_semaphore, #tpu.memory_space<semaphore_mem>>) src(%dma_wait3A_35 : memref<16960xf32, #tpu.memory_space<hbm>>) dst(%arg8 : memref<16960xf32, #tpu.memory_space<vmem>>)
      tpu.yield
    }) : () -> ()
    "tpu.region"() ({
      %run_scoped3A_25 = tpu.sem_alloc : memref<!tpu.dma_semaphore, #tpu.memory_space<semaphore_mem>>
      %dma_start3A = arith.constant 0 : i32
      %dma_start3A_26 = tpu.memref_slice %arg4[%add3A, %dma_start3A] : memref<32x16xf32, #tpu.memory_space<hbm>> -> memref<1x16xf32, #tpu.memory_space<hbm>>
      %dma_start3A_27 = tpu.memref_squeeze %dma_start3A_26 : memref<1x16xf32, #tpu.memory_space<hbm>> -> memref<16xf32, #tpu.memory_space<hbm>>
      %dma_start3A_28 = arith.constant 0 : i32
      %dma_start3A_29 = tpu.memref_slice %arg4[%add3A, %dma_start3A_28] : memref<32x16xf32, #tpu.memory_space<hbm>> -> memref<1x16xf32, #tpu.memory_space<hbm>>
      %dma_start3A_30 = tpu.memref_squeeze %dma_start3A_29 : memref<1x16xf32, #tpu.memory_space<hbm>> -> memref<16xf32, #tpu.memory_space<hbm>>
      tpu.enqueue_dma source(%dma_start3A_30 : memref<16xf32, #tpu.memory_space<hbm>>) target(%arg9 : memref<16xf32, #tpu.memory_space<vmem>>) target_semaphore(%run_scoped3A_25 : memref<!tpu.dma_semaphore, #tpu.memory_space<semaphore_mem>>)
      %dma_wait3A = arith.constant 0 : i32
      %dma_wait3A_31 = tpu.memref_slice %arg4[%add3A, %dma_wait3A] : memref<32x16xf32, #tpu.memory_space<hbm>> -> memref<1x16xf32, #tpu.memory_space<hbm>>
      %dma_wait3A_32 = tpu.memref_squeeze %dma_wait3A_31 : memref<1x16xf32, #tpu.memory_space<hbm>> -> memref<16xf32, #tpu.memory_space<hbm>>
      %dma_wait3A_33 = arith.constant 0 : i32
      %dma_wait3A_34 = tpu.memref_slice %arg4[%add3A, %dma_wait3A_33] : memref<32x16xf32, #tpu.memory_space<hbm>> -> memref<1x16xf32, #tpu.memory_space<hbm>>
      %dma_wait3A_35 = tpu.memref_squeeze %dma_wait3A_34 : memref<1x16xf32, #tpu.memory_space<hbm>> -> memref<16xf32, #tpu.memory_space<hbm>>
      tpu.wait_dma2 semaphore(%run_scoped3A_25 : memref<!tpu.dma_semaphore, #tpu.memory_space<semaphore_mem>>) src(%dma_wait3A_35 : memref<16xf32, #tpu.memory_space<hbm>>) dst(%arg9 : memref<16xf32, #tpu.memory_space<vmem>>)
      tpu.yield
    }) : () -> ()
    %iota3A = tpu.iota {dimensions = array<i32: 0>} : vector<16xi32>
    %get3A = arith.constant 0 : index
    %get3A_1 = tpu.vector_load %arg9[%get3A] {strides = array<i32>} : memref<16xf32, #tpu.memory_space<vmem>>, vector<16xf32>,
    %get3A_2 = vector.shape_cast %get3A_1 : vector<16xf32> to vector<16xf32>
    %broadcast_in_dim3A = arith.constant 0xFF800000 : f32
    %broadcast_in_dim3A_3 = vector.broadcast %broadcast_in_dim3A : f32 to vector<16xf32>
    %broadcast_in_dim3A_4 = arith.constant 0 : i32
    %broadcast_in_dim3A_5 = vector.broadcast %broadcast_in_dim3A_4 : i32 to vector<16xi32>
    %scan3A = arith.constant 0 : i32
    %scan3A_6 = arith.constant 265 : i32
    %scan3A_7 = arith.addi %scan3A, %scan3A_6 : i32
    %scan3A_8 = arith.constant 1 : i32
    %scan3A_9:2 = scf.for %scan3A_25 = %scan3A to %scan3A_7 step %scan3A_8 iter_args(%scan3A_26 = %broadcast_in_dim3A_3, %scan3A_27 = %broadcast_in_dim3A_5) -> (vector<16xf32>, vector<16xi32>)  : i32 {
      %mul3A_28 = arith.constant 4 : i32
      %mul3A_29 = arith.muli %scan3A_25, %mul3A_28 : i32
      %add3A_30 = arith.constant 0 : i32
      %add3A_31 = arith.addi %mul3A_29, %add3A_30 : i32
      %mul3A_32 = arith.constant 16 : i32
      %mul3A_33 = arith.muli %add3A_31, %mul3A_32 : i32
      %get3A_34 = arith.index_cast %mul3A_33 : i32 to index
      %get3A_35 = tpu.vector_load %arg7[%get3A_34] {strides = array<i32>} : memref<16960xf32, #tpu.memory_space<vmem>>, vector<16xf32>,
      %get3A_36 = vector.shape_cast %get3A_35 : vector<16xf32> to vector<16xf32>
      %mul3A_37 = arith.constant 16 : i32
      %mul3A_38 = arith.muli %add3A_31, %mul3A_37 : i32
      %get3A_39 = arith.index_cast %mul3A_38 : i32 to index
      %get3A_40 = tpu.vector_load %arg8[%get3A_39] {strides = array<i32>} : memref<16960xf32, #tpu.memory_space<vmem>>, vector<16xf32>,
      %get3A_41 = vector.shape_cast %get3A_40 : vector<16xf32> to vector<16xf32>
      %mul3A_42 = arith.mulf %get3A_2, %get3A_41 : vector<16xf32>
      %sub3A = arith.subf %get3A_36, %mul3A_42 : vector<16xf32>
      %gt3A = arith.cmpf ogt, %sub3A, %scan3A_26 : vector<16xf32>
      %select_n3A = arith.select %gt3A, %sub3A, %scan3A_26 : vector<16xi1>, vector<16xf32>
      %mul3A_43 = arith.constant 0 : i32
      %mul3A_44 = vector.broadcast %mul3A_43 : i32 to vector<16xi32>
      %mul3A_45 = arith.muli %iota3A, %mul3A_44 : vector<16xi32>
      %add3A_46 = vector.broadcast %add3A_31 : i32 to vector<16xi32>
      %add3A_47 = arith.addi %mul3A_45, %add3A_46 : vector<16xi32>
      %select_n3A_48 = arith.select %gt3A, %add3A_47, %scan3A_27 : vector<16xi1>, vector<16xi32>
      %mul3A_49 = arith.constant 4 : i32
      %mul3A_50 = arith.muli %scan3A_25, %mul3A_49 : i32
      %add3A_51 = arith.constant 1 : i32
      %add3A_52 = arith.addi %mul3A_50, %add3A_51 : i32
      %mul3A_53 = arith.constant 16 : i32
      %mul3A_54 = arith.muli %add3A_52, %mul3A_53 : i32
      %get3A_55 = arith.index_cast %mul3A_54 : i32 to index
      %get3A_56 = tpu.vector_load %arg7[%get3A_55] {strides = array<i32>} : memref<16960xf32, #tpu.memory_space<vmem>>, vector<16xf32>,
      %get3A_57 = vector.shape_cast %get3A_56 : vector<16xf32> to vector<16xf32>
      %mul3A_58 = arith.constant 16 : i32
      %mul3A_59 = arith.muli %add3A_52, %mul3A_58 : i32
      %get3A_60 = arith.index_cast %mul3A_59 : i32 to index
      %get3A_61 = tpu.vector_load %arg8[%get3A_60] {strides = array<i32>} : memref<16960xf32, #tpu.memory_space<vmem>>, vector<16xf32>,
      %get3A_62 = vector.shape_cast %get3A_61 : vector<16xf32> to vector<16xf32>
      %mul3A_63 = arith.mulf %get3A_2, %get3A_62 : vector<16xf32>
      %sub3A_64 = arith.subf %get3A_57, %mul3A_63 : vector<16xf32>
      %gt3A_65 = arith.cmpf ogt, %sub3A_64, %select_n3A : vector<16xf32>
      %select_n3A_66 = arith.select %gt3A_65, %sub3A_64, %select_n3A : vector<16xi1>, vector<16xf32>
      %mul3A_67 = arith.constant 0 : i32
      %mul3A_68 = vector.broadcast %mul3A_67 : i32 to vector<16xi32>
      %mul3A_69 = arith.muli %iota3A, %mul3A_68 : vector<16xi32>
      %add3A_70 = vector.broadcast %add3A_52 : i32 to vector<16xi32>
      %add3A_71 = arith.addi %mul3A_69, %add3A_70 : vector<16xi32>
      %select_n3A_72 = arith.select %gt3A_65, %add3A_71, %select_n3A_48 : vector<16xi1>, vector<16xi32>
      %mul3A_73 = arith.constant 4 : i32
      %mul3A_74 = arith.muli %scan3A_25, %mul3A_73 : i32
      %add3A_75 = arith.constant 2 : i32
      %add3A_76 = arith.addi %mul3A_74, %add3A_75 : i32
      %mul3A_77 = arith.constant 16 : i32
      %mul3A_78 = arith.muli %add3A_76, %mul3A_77 : i32
      %get3A_79 = arith.index_cast %mul3A_78 : i32 to index
      %get3A_80 = tpu.vector_load %arg7[%get3A_79] {strides = array<i32>} : memref<16960xf32, #tpu.memory_space<vmem>>, vector<16xf32>,
      %get3A_81 = vector.shape_cast %get3A_80 : vector<16xf32> to vector<16xf32>
      %mul3A_82 = arith.constant 16 : i32
      %mul3A_83 = arith.muli %add3A_76, %mul3A_82 : i32
      %get3A_84 = arith.index_cast %mul3A_83 : i32 to index
      %get3A_85 = tpu.vector_load %arg8[%get3A_84] {strides = array<i32>} : memref<16960xf32, #tpu.memory_space<vmem>>, vector<16xf32>,
      %get3A_86 = vector.shape_cast %get3A_85 : vector<16xf32> to vector<16xf32>
      %mul3A_87 = arith.mulf %get3A_2, %get3A_86 : vector<16xf32>
      %sub3A_88 = arith.subf %get3A_81, %mul3A_87 : vector<16xf32>
      %gt3A_89 = arith.cmpf ogt, %sub3A_88, %select_n3A_66 : vector<16xf32>
      %select_n3A_90 = arith.select %gt3A_89, %sub3A_88, %select_n3A_66 : vector<16xi1>, vector<16xf32>
      %mul3A_91 = arith.constant 0 : i32
      %mul3A_92 = vector.broadcast %mul3A_91 : i32 to vector<16xi32>
      %mul3A_93 = arith.muli %iota3A, %mul3A_92 : vector<16xi32>
      %add3A_94 = vector.broadcast %add3A_76 : i32 to vector<16xi32>
      %add3A_95 = arith.addi %mul3A_93, %add3A_94 : vector<16xi32>
      %select_n3A_96 = arith.select %gt3A_89, %add3A_95, %select_n3A_72 : vector<16xi1>, vector<16xi32>
      %mul3A_97 = arith.constant 4 : i32
      %mul3A_98 = arith.muli %scan3A_25, %mul3A_97 : i32
      %add3A_99 = arith.constant 3 : i32
      %add3A_100 = arith.addi %mul3A_98, %add3A_99 : i32
      %mul3A_101 = arith.constant 16 : i32
      %mul3A_102 = arith.muli %add3A_100, %mul3A_101 : i32
      %get3A_103 = arith.index_cast %mul3A_102 : i32 to index
      %get3A_104 = tpu.vector_load %arg7[%get3A_103] {strides = array<i32>} : memref<16960xf32, #tpu.memory_space<vmem>>, vector<16xf32>,
      %get3A_105 = vector.shape_cast %get3A_104 : vector<16xf32> to vector<16xf32>
      %mul3A_106 = arith.constant 16 : i32
      %mul3A_107 = arith.muli %add3A_100, %mul3A_106 : i32
      %get3A_108 = arith.index_cast %mul3A_107 : i32 to index
      %get3A_109 = tpu.vector_load %arg8[%get3A_108] {strides = array<i32>} : memref<16960xf32, #tpu.memory_space<vmem>>, vector<16xf32>,
      %get3A_110 = vector.shape_cast %get3A_109 : vector<16xf32> to vector<16xf32>
      %mul3A_111 = arith.mulf %get3A_2, %get3A_110 : vector<16xf32>
      %sub3A_112 = arith.subf %get3A_105, %mul3A_111 : vector<16xf32>
      %gt3A_113 = arith.cmpf ogt, %sub3A_112, %select_n3A_90 : vector<16xf32>
      %select_n3A_114 = arith.select %gt3A_113, %sub3A_112, %select_n3A_90 : vector<16xi1>, vector<16xf32>
      %mul3A_115 = arith.constant 0 : i32
      %mul3A_116 = vector.broadcast %mul3A_115 : i32 to vector<16xi32>
      %mul3A_117 = arith.muli %iota3A, %mul3A_116 : vector<16xi32>
      %add3A_118 = vector.broadcast %add3A_100 : i32 to vector<16xi32>
      %add3A_119 = arith.addi %mul3A_117, %add3A_118 : vector<16xi32>
      %select_n3A_120 = arith.select %gt3A_113, %add3A_119, %select_n3A_96 : vector<16xi1>, vector<16xi32>
      scf.yield %select_n3A_114, %select_n3A_120 : vector<16xf32>, vector<16xi32>
    }
    %scan3A_10 = arith.constant 265 : i32
    %swap3A = arith.constant 0 : index
    %swap3A_11 = tpu.vector_load %arg10[%swap3A] {strides = array<i32>} : memref<16xf32, #tpu.memory_space<vmem>>, vector<16xf32>,
    %swap3A_12 = vector.shape_cast %swap3A_11 : vector<16xf32> to vector<16xf32>
    %swap3A_13 = vector.shape_cast %scan3A_9#0 : vector<16xf32> to vector<16xf32>
    tpu.vector_store %arg10[%swap3A], %swap3A_13 {strides = array<i32>} : memref<16xf32, #tpu.memory_space<vmem>>, vector<16xf32>,
    %mul3A_14 = arith.constant 16 : i32
    %mul3A_15 = vector.broadcast %mul3A_14 : i32 to vector<16xi32>
    %mul3A_16 = arith.muli %scan3A_9#1, %mul3A_15 : vector<16xi32>
    %add3A_17 = arith.addi %mul3A_16, %iota3A : vector<16xi32>
    %add3A_18 = arith.constant 983040 : i32
    %add3A_19 = vector.broadcast %add3A_18 : i32 to vector<16xi32>
    %add3A_20 = arith.addi %add3A_17, %add3A_19 : vector<16xi32>
    %swap3A_21 = arith.constant 0 : index
    %swap3A_22 = tpu.vector_load %arg11[%swap3A_21] {strides = array<i32>} : memref<16xi32, #tpu.memory_space<vmem>>, vector<16xi32>,
    %swap3A_23 = vector.shape_cast %swap3A_22 : vector<16xi32> to vector<16xi32>
    %swap3A_24 = vector.shape_cast %add3A_20 : vector<16xi32> to vector<16xi32>
    tpu.vector_store %arg11[%swap3A_21], %swap3A_24 {strides = array<i32>} : memref<16xi32, #tpu.memory_space<vmem>>, vector<16xi32>,
    "tpu.region"() ({
      %run_scoped3A_25 = tpu.sem_alloc : memref<!tpu.dma_semaphore, #tpu.memory_space<semaphore_mem>>
      %dma_start3A = arith.constant 0 : i32
      %dma_start3A_26 = tpu.memref_slice %arg5[%add3A, %dma_start3A] : memref<32x16xf32, #tpu.memory_space<hbm>> -> memref<1x16xf32, #tpu.memory_space<hbm>>
      %dma_start3A_27 = tpu.memref_squeeze %dma_start3A_26 : memref<1x16xf32, #tpu.memory_space<hbm>> -> memref<16xf32, #tpu.memory_space<hbm>>
      %dma_start3A_28 = arith.constant 0 : i32
      %dma_start3A_29 = tpu.memref_slice %arg5[%add3A, %dma_start3A_28] : memref<32x16xf32, #tpu.memory_space<hbm>> -> memref<1x16xf32, #tpu.memory_space<hbm>>
      %dma_start3A_30 = tpu.memref_squeeze %dma_start3A_29 : memref<1x16xf32, #tpu.memory_space<hbm>> -> memref<16xf32, #tpu.memory_space<hbm>>
      tpu.enqueue_dma source(%arg10 : memref<16xf32, #tpu.memory_space<vmem>>) target(%dma_start3A_30 : memref<16xf32, #tpu.memory_space<hbm>>) target_semaphore(%run_scoped3A_25 : memref<!tpu.dma_semaphore, #tpu.memory_space<semaphore_mem>>)
      %dma_wait3A = arith.constant 0 : i32
      %dma_wait3A_31 = tpu.memref_slice %arg5[%add3A, %dma_wait3A] : memref<32x16xf32, #tpu.memory_space<hbm>> -> memref<1x16xf32, #tpu.memory_space<hbm>>
      %dma_wait3A_32 = tpu.memref_squeeze %dma_wait3A_31 : memref<1x16xf32, #tpu.memory_space<hbm>> -> memref<16xf32, #tpu.memory_space<hbm>>
      %dma_wait3A_33 = arith.constant 0 : i32
      %dma_wait3A_34 = tpu.memref_slice %arg5[%add3A, %dma_wait3A_33] : memref<32x16xf32, #tpu.memory_space<hbm>> -> memref<1x16xf32, #tpu.memory_space<hbm>>
      %dma_wait3A_35 = tpu.memref_squeeze %dma_wait3A_34 : memref<1x16xf32, #tpu.memory_space<hbm>> -> memref<16xf32, #tpu.memory_space<hbm>>
      tpu.wait_dma2 semaphore(%run_scoped3A_25 : memref<!tpu.dma_semaphore, #tpu.memory_space<semaphore_mem>>) src(%arg10 : memref<16xf32, #tpu.memory_space<vmem>>) dst(%dma_wait3A_35 : memref<16xf32, #tpu.memory_space<hbm>>)
      tpu.yield
    }) : () -> ()
    "tpu.region"() ({
      %run_scoped3A_25 = tpu.sem_alloc : memref<!tpu.dma_semaphore, #tpu.memory_space<semaphore_mem>>
      %dma_start3A = arith.constant 0 : i32
      %dma_start3A_26 = tpu.memref_slice %arg6[%add3A, %dma_start3A] : memref<32x16xi32, #tpu.memory_space<hbm>> -> memref<1x16xi32, #tpu.memory_space<hbm>>
      %dma_start3A_27 = tpu.memref_squeeze %dma_start3A_26 : memref<1x16xi32, #tpu.memory_space<hbm>> -> memref<16xi32, #tpu.memory_space<hbm>>
      %dma_start3A_28 = arith.constant 0 : i32
      %dma_start3A_29 = tpu.memref_slice %arg6[%add3A, %dma_start3A_28] : memref<32x16xi32, #tpu.memory_space<hbm>> -> memref<1x16xi32, #tpu.memory_space<hbm>>
      %dma_start3A_30 = tpu.memref_squeeze %dma_start3A_29 : memref<1x16xi32, #tpu.memory_space<hbm>> -> memref<16xi32, #tpu.memory_space<hbm>>
      tpu.enqueue_dma source(%arg11 : memref<16xi32, #tpu.memory_space<vmem>>) target(%dma_start3A_30 : memref<16xi32, #tpu.memory_space<hbm>>) target_semaphore(%run_scoped3A_25 : memref<!tpu.dma_semaphore, #tpu.memory_space<semaphore_mem>>)
      %dma_wait3A = arith.constant 0 : i32
      %dma_wait3A_31 = tpu.memref_slice %arg6[%add3A, %dma_wait3A] : memref<32x16xi32, #tpu.memory_space<hbm>> -> memref<1x16xi32, #tpu.memory_space<hbm>>
      %dma_wait3A_32 = tpu.memref_squeeze %dma_wait3A_31 : memref<1x16xi32, #tpu.memory_space<hbm>> -> memref<16xi32, #tpu.memory_space<hbm>>
      %dma_wait3A_33 = arith.constant 0 : i32
      %dma_wait3A_34 = tpu.memref_slice %arg6[%add3A, %dma_wait3A_33] : memref<32x16xi32, #tpu.memory_space<hbm>> -> memref<1x16xi32, #tpu.memory_space<hbm>>
      %dma_wait3A_35 = tpu.memref_squeeze %dma_wait3A_34 : memref<1x16xi32, #tpu.memory_space<hbm>> -> memref<16xi32, #tpu.memory_space<hbm>>
      tpu.wait_dma2 semaphore(%run_scoped3A_25 : memref<!tpu.dma_semaphore, #tpu.memory_space<semaphore_mem>>) src(%arg11 : memref<16xi32, #tpu.memory_space<vmem>>) dst(%dma_wait3A_35 : memref<16xi32, #tpu.memory_space<hbm>>)
      tpu.yield
    }) : () -> ()
    return
  }
}

module attributes {stable_mosaic.version = 14 : i64} {
  func.func @_noise_kernel(%arg0: memref<1x16960xf32, #tpu.memory_space<vmem>>, %arg1: memref<1x16960xf32, #tpu.memory_space<vmem>>) attributes {dimension_semantics = [], scalar_prefetch = 0 : i64, scratch_operands = 0 : i64, tpu.core_type = #tpu.core_type<tc>} {
    %get3A = arith.constant 0 : index
    %get3A_0 = arith.constant 0 : index
    %get3A_1 = vector.load %arg0[%get3A, %get3A_0] : memref<1x16960xf32, #tpu.memory_space<vmem>>, vector<1x16960xf32>
    %add3A = arith.constant 1.000000e-10 : f32
    %add3A_2 = vector.broadcast %add3A : f32 to vector<1x16960xf32>
    %add3A_3 = arith.addf %get3A_1, %add3A_2 : vector<1x16960xf32>
    %log3A = math.log %add3A_3 : vector<1x16960xf32>
    %swap3A = arith.constant 0 : index
    %swap3A_4 = arith.constant 0 : index
    %swap3A_5 = vector.load %arg1[%swap3A, %swap3A_4] : memref<1x16960xf32, #tpu.memory_space<vmem>>, vector<1x16960xf32>
    tpu.vector_store %arg1[%swap3A, %swap3A_4], %log3A {strides = array<i32>} : memref<1x16960xf32, #tpu.memory_space<vmem>>, vector<1x16960xf32>,
    return
  }
}

module attributes {stable_mosaic.version = 14 : i64} {
  func.func @_tc_kernel(%arg0: i32, %arg1: memref<32x65536xf32, #tpu.memory_space<vmem>>, %arg2: memref<1x65536xf32, #tpu.memory_space<vmem>>, %arg3: memref<32x1xf32, #tpu.memory_space<vmem>>, %arg4: memref<32x1xi32, #tpu.memory_space<vmem>>, %arg5: memref<32x1xf32, #tpu.memory_space<vmem>>, %arg6: memref<32x1xf32, #tpu.memory_space<vmem>>) attributes {dimension_semantics = [#tpu.dimension_semantics<arbitrary>], iteration_bounds = array<i64: 15>, scalar_prefetch = 0 : i64, scratch_operands = 1 : i64, tpu.core_type = #tpu.core_type<tc>, window_params = [{transform_indices = @transform_0, window_bounds = array<i64: 32, 65536>}, {transform_indices = @transform_1, window_bounds = array<i64: 1, 65536>}, {pipeline_mode = #tpu.pipeline_mode<synchronous>, transform_indices = @transform_2, window_bounds = array<i64: 32, 1>}, {pipeline_mode = #tpu.pipeline_mode<synchronous>, transform_indices = @transform_3, window_bounds = array<i64: 32, 1>}, {pipeline_mode = #tpu.pipeline_mode<synchronous>, transform_indices = @transform_4, window_bounds = array<i64: 32, 1>}]} {
    %eq3A = arith.constant 0 : i32
    %eq3A_0 = arith.cmpi eq, %arg0, %eq3A : i32
    %convert_element_type3A = arith.extui %eq3A_0 : i1 to i32
    %cond3A = arith.constant 0 : i32
    %cond3A_1 = arith.cmpi ne, %convert_element_type3A, %cond3A : i32
    scf.if %cond3A_1 {
      %broadcast_in_dim3A_46 = arith.constant 0xFF800000 : f32
      %broadcast_in_dim3A_47 = vector.broadcast %broadcast_in_dim3A_46 : f32 to vector<32x1xf32>
      %swap3A_48 = arith.constant 0 : index
      %swap3A_49 = arith.constant 0 : index
      %swap3A_50 = vector.load %arg6[%swap3A_48, %swap3A_49] : memref<32x1xf32, #tpu.memory_space<vmem>>, vector<32x1xf32>
      tpu.vector_store %arg6[%swap3A_48, %swap3A_49], %broadcast_in_dim3A_47 {strides = array<i32>} : memref<32x1xf32, #tpu.memory_space<vmem>>, vector<32x1xf32>,
      %broadcast_in_dim3A_51 = arith.constant 0 : i32
      %broadcast_in_dim3A_52 = vector.broadcast %broadcast_in_dim3A_51 : i32 to vector<32x1xi32>
      %swap3A_53 = arith.constant 0 : index
      %swap3A_54 = arith.constant 0 : index
      %swap3A_55 = vector.load %arg4[%swap3A_53, %swap3A_54] : memref<32x1xi32, #tpu.memory_space<vmem>>, vector<32x1xi32>
      tpu.vector_store %arg4[%swap3A_53, %swap3A_54], %broadcast_in_dim3A_52 {strides = array<i32>} : memref<32x1xi32, #tpu.memory_space<vmem>>, vector<32x1xi32>,
    } else {
    }
    %get3A = arith.constant 0 : index
    %get3A_2 = arith.constant 0 : index
    %get3A_3 = vector.load %arg1[%get3A, %get3A_2] : memref<32x65536xf32, #tpu.memory_space<vmem>>, vector<32x65536xf32>
    %get3A_4 = arith.constant 0 : index
    %get3A_5 = arith.constant 0 : index
    %get3A_6 = vector.load %arg2[%get3A_4, %get3A_5] : memref<1x65536xf32, #tpu.memory_space<vmem>>, vector<1x65536xf32>
    %get3A_7 = arith.constant 0 : index
    %get3A_8 = arith.constant 0 : index
    %get3A_9 = vector.load %arg3[%get3A_7, %get3A_8] : memref<32x1xf32, #tpu.memory_space<vmem>>, vector<32x1xf32>
    %add3A = arith.constant 1.000000e-10 : f32
    %add3A_10 = vector.broadcast %add3A : f32 to vector<1x65536xf32>
    %add3A_11 = arith.addf %get3A_6, %add3A_10 : vector<1x65536xf32>
    %log3A = math.log %add3A_11 : vector<1x65536xf32>
    %mul3A = vector.broadcast %get3A_9 : vector<32x1xf32> to vector<32x65536xf32>
    %mul3A_12 = vector.broadcast %log3A : vector<1x65536xf32> to vector<32x65536xf32>
    %mul3A_13 = arith.mulf %mul3A, %mul3A_12 : vector<32x65536xf32>
    %sub3A = arith.subf %get3A_3, %mul3A_13 : vector<32x65536xf32>
    %iota3A = tpu.iota {dimensions = array<i32: 1>} : vector<32x65536xi32>
    %reduce_max3A = arith.constant dense<0xFF800000> : vector<32xf32>
    %reduce_max3A_14 = vector.multi_reduction <maximumf>, %sub3A, %reduce_max3A [1] : vector<32x65536xf32> to vector<32xf32>
    %broadcast_in_dim3A = vector.shape_cast %reduce_max3A_14 : vector<32xf32> to vector<32x1xf32>
    %eq3A_15 = vector.broadcast %broadcast_in_dim3A : vector<32x1xf32> to vector<32x65536xf32>
    %eq3A_16 = arith.cmpf oeq, %sub3A, %eq3A_15 : vector<32x65536xf32>
    %jit3A = arith.constant 65536 : i32
    %broadcast_in_dim3A_17 = vector.broadcast %jit3A : i32 to vector<32x65536xi32>
    %select_n3A = arith.select %eq3A_16, %iota3A, %broadcast_in_dim3A_17 : vector<32x65536xi1>, vector<32x65536xi32>
    %reduce_min3A = arith.constant dense<2147483647> : vector<32xi32>
    %reduce_min3A_18 = vector.multi_reduction <minsi>, %select_n3A, %reduce_min3A [1] : vector<32x65536xi32> to vector<32xi32>
    %broadcast_in_dim3A_19 = vector.shape_cast %reduce_min3A_18 : vector<32xi32> to vector<32x1xi32>
    %mul3A_20 = arith.constant 65536 : i32
    %mul3A_21 = arith.muli %arg0, %mul3A_20 : i32
    %add3A_22 = vector.broadcast %mul3A_21 : i32 to vector<32x1xi32>
    %add3A_23 = arith.addi %broadcast_in_dim3A_19, %add3A_22 : vector<32x1xi32>
    %get3A_24 = arith.constant 0 : index
    %get3A_25 = arith.constant 0 : index
    %get3A_26 = vector.load %arg6[%get3A_24, %get3A_25] : memref<32x1xf32, #tpu.memory_space<vmem>>, vector<32x1xf32>
    %gt3A = arith.cmpf ogt, %broadcast_in_dim3A, %get3A_26 : vector<32x1xf32>
    %get3A_27 = arith.constant 0 : index
    %get3A_28 = arith.constant 0 : index
    %get3A_29 = vector.load %arg6[%get3A_27, %get3A_28] : memref<32x1xf32, #tpu.memory_space<vmem>>, vector<32x1xf32>
    %select_n3A_30 = arith.select %gt3A, %broadcast_in_dim3A, %get3A_29 : vector<32x1xi1>, vector<32x1xf32>
    %swap3A = arith.constant 0 : index
    %swap3A_31 = arith.constant 0 : index
    %swap3A_32 = vector.load %arg6[%swap3A, %swap3A_31] : memref<32x1xf32, #tpu.memory_space<vmem>>, vector<32x1xf32>
    tpu.vector_store %arg6[%swap3A, %swap3A_31], %select_n3A_30 {strides = array<i32>} : memref<32x1xf32, #tpu.memory_space<vmem>>, vector<32x1xf32>,
    %get3A_33 = arith.constant 0 : index
    %get3A_34 = arith.constant 0 : index
    %get3A_35 = vector.load %arg4[%get3A_33, %get3A_34] : memref<32x1xi32, #tpu.memory_space<vmem>>, vector<32x1xi32>
    %select_n3A_36 = arith.select %gt3A, %add3A_23, %get3A_35 : vector<32x1xi1>, vector<32x1xi32>
    %swap3A_37 = arith.constant 0 : index
    %swap3A_38 = arith.constant 0 : index
    %swap3A_39 = vector.load %arg4[%swap3A_37, %swap3A_38] : memref<32x1xi32, #tpu.memory_space<vmem>>, vector<32x1xi32>
    tpu.vector_store %arg4[%swap3A_37, %swap3A_38], %select_n3A_36 {strides = array<i32>} : memref<32x1xi32, #tpu.memory_space<vmem>>, vector<32x1xi32>,
    %get3A_40 = arith.constant 0 : index
    %get3A_41 = arith.constant 0 : index
    %get3A_42 = vector.load %arg6[%get3A_40, %get3A_41] : memref<32x1xf32, #tpu.memory_space<vmem>>, vector<32x1xf32>
    %swap3A_43 = arith.constant 0 : index
    %swap3A_44 = arith.constant 0 : index
    %swap3A_45 = vector.load %arg5[%swap3A_43, %swap3A_44] : memref<32x1xf32, #tpu.memory_space<vmem>>, vector<32x1xf32>
    tpu.vector_store %arg5[%swap3A_43, %swap3A_44], %get3A_42 {strides = array<i32>} : memref<32x1xf32, #tpu.memory_space<vmem>>, vector<32x1xf32>,
    return
  }
  func.func @transform_0(%arg0: i32) -> (i32, i32) {
    %c0_i32 = arith.constant 0 : i32
    %c0_i32_0 = arith.constant 0 : i32
    return %c0_i32, %arg0 : i32, i32
  }
  func.func @transform_1(%arg0: i32) -> (i32, i32) {
    %c0_i32 = arith.constant 0 : i32
    %c0_i32_0 = arith.constant 0 : i32
    return %c0_i32, %arg0 : i32, i32
  }
  func.func @transform_2(%arg0: i32) -> (i32, i32) {
    %c0_i32 = arith.constant 0 : i32
    %c0_i32_0 = arith.constant 0 : i32
    %c0_i32_1 = arith.constant 0 : i32
    return %c0_i32, %c0_i32_0 : i32, i32
  }
  func.func @transform_3(%arg0: i32) -> (i32, i32) {
    %c0_i32 = arith.constant 0 : i32
    %c0_i32_0 = arith.constant 0 : i32
    %c0_i32_1 = arith.constant 0 : i32
    return %c0_i32, %c0_i32_0 : i32, i32
  }
  func.func @transform_4(%arg0: i32) -> (i32, i32) {
    %c0_i32 = arith.constant 0 : i32
    %c0_i32_0 = arith.constant 0 : i32
    %c0_i32_1 = arith.constant 0 : i32
    return %c0_i32, %c0_i32_0 : i32, i32
  }
}

</mosaic_0001>

<sc_bundles>
// kernel: kernel.5.cloned.1.call-start
scs
__scs_entry_jumppad:
0x0: {  	(pc) =	sbr.rel $0x88, $3  }
0x1: {  	(tag) =	ssettag $0x0;
	lr =	simm.s32 $0x1  }
0x2: {  	[smem:$0x3F9E] =	sst lr;
	_ =	strace $0xD0000000  }
0x3: {  	_ = 	snop  }
0x4: {  	_ = 	snop  }
0x5: {  	_ = 	snop  }
0x6: {  	_ = 	snop  }
0x7: {  	_ = 	snop  }
__scs_overlays_trampoline_lowered:
0x8: {  	[smem:$0x3FAD] =	sst s0  }
0x9: {  	[smem:$0x3FAE] =	sst s1  }
0xa: {  	[smem:$0x3FAF] =	sst s2  }
0xb: {  	[smem:$0x3FB0] =	sst s3  }
0xc: {  	[smem:$0x3FB1] =	sst s4  }
0xd: {  	[smem:$0x3FB2] =	sst s5  }
0xe: {  	[smem:$0x3FB3] =	sst s6  }
0xf: {  	[smem:$0x3FB4] =	sst s7  }
0x10: {  	[smem:$0x3FB5] =	sst s8  }
0x11: {  	[smem:$0x3FB6] =	sst s9;
	s0 =	simm.s32 @!p0 $0x0  }
0x12: {  	s1 =	sld [smem:$0x3F9C];
	s0 =	simm.s32 @p0 $0x1  }
0x13: {  	[smem:$0x3FB7] =	sst s0;
	s0 =	simm.s32 @!p1 $0x0  }
0x14: {  	s2 =	sld [smem:$0x3F9B];
	s0 =	simm.s32 @p1 $0x1  }
0x15: {  	[smem:$0x3FB8] =	sst s0;
	s0 =	simm.s32 @!p2 $0x0  }
0x16: {  	s3 =	sld [smem:$0x3FDB];
	s0 =	simm.s32 @p2 $0x1  }
0x17: {  	s4 =	simm.s32 $0x1BF5;
	[smem:$0x3FBA] =	sst s0  }
0x18: {  	s0 =	sld [smem:$0x3F9D];
	_ =	swait.ge [sflag:s4], $0x0  }
0x19: {  	s7 =	sld [smem:$0x3F9E]  }
0x1a: {  	s8 =	sadd.s32 $0xFFFFE003, lr  }
0x1b: {  	s9 =	sadd.s32 $0xFFFFFEF7, lr;
	s5 =	simm.s32 $0xFFFFFFFF;
	p2 =	slt.u32 s8, $0xFFFFF086  }
0x1c: {  	p1 =	slt.u32 s9, $0xF7A;
	s5 =	simm.s32 @!p2 $0x0  }
0x1d: {  	s5 =	simm.s32 @p1 $0x1;
	p0 =	seq.s32 s7, s2  }
0x1e: {  	s7 =	smul.u32 @!p0 $0xF7A, s2;
	p2 =	seq.s32 @!p0 s5, $0x0  }
0x1f: {  	s9 =	smul.u32 $0xF7A, s1;
	s8 =	simm.s32 @!p0 $0x1BF5;
	p2 =	por !p2, p0  }
0x20: {  	[sflag:s8] =	ssyncset.s32 @!p0 $0xFFFFF086;
	s6 =	sadd.s32 @!p0 s3, s7;
	s7 =	simm.s32 @!p0 $0x108  }
0x21: {  	s3 =	sadd.s32 s3, s9;
	s6 =	sadd.s32 @!p0 $0x88, s6;
	s7 =	simm.s32 @p2 $0x1082  }
0x22: {  	[simem:s7], [sflag:s8] =	dma.local @!p0 [hbm:s6], $0xF7A  }
0x23: {  	s9 =	sor.u32 $0xD0000000, s2;
	s6 =	simm.s32 $0x108;
	_ =	swait.ge @!p0 [sflag:s8], $0x0  }
0x24: {  	s3 =	sadd.s32 $0x88, s3;
	s6 =	simm.s32 @!p1 $0x1082;
	[sflag:s4] =	ssyncset.s32 $0xFFFFF086  }
0x25: {  	[simem:s6], [sflag:s4] =	dma.local [hbm:s3], $0xF7A  }
0x26: {  	[smem:$0x3F9E] =	sst s1;
	(tag) =	ssettag s2;
	_ =	strace s9  }
0x27: {  	s1 =	sld [smem:$0x3FAE]  }
0x28: {  	s2 =	sld [smem:$0x3FAF]  }
0x29: {  	s4 =	sld [smem:$0x3FB1]  }
0x2a: {  	p0 =	seq.s32 s5, $0x0;
	s5 =	sld [smem:$0x3FB2]  }
0x2b: {  	s6 =	sld [smem:$0x3FB3]  }
0x2c: {  	s7 =	sld [smem:$0x3FB4]  }
0x2d: {  	s3 =	simm.s32 $0x108;
	s8 =	sld [smem:$0x3FB5]  }
0x2e: {  	s3 =	simm.s32 @!p0 $0x1082;
	s9 =	sld [smem:$0x3FB6]  }
0x2f: {  	lr =	sadd.s32 s0, s3;
	s0 =	sld [smem:$0x3FAD]  }
0x30: {  	s3 =	sld [smem:$0x3FB0]  }
0x31: {  	[smem:$0x3FB9] =	sst s10  }
0x32: {  	s10 =	sld [smem:$0x3FB7];
	_ =	sdelay $0x3  }
0x33: {  	p0 =	seq.s32 s10, $0x1;
	s10 =	sld [smem:$0x3FB9];
	_ =	sdelay $0x3  }
0x34: {  	[smem:$0x3FB9] =	sst s10  }
0x35: {  	s10 =	sld [smem:$0x3FB8];
	_ =	sdelay $0x3  }
0x36: {  	p1 =	seq.s32 s10, $0x1;
	s10 =	sld [smem:$0x3FB9];
	_ =	sdelay $0x3  }
0x37: {  	[smem:$0x3FB9] =	sst s10  }
0x38: {  	s10 =	sld [smem:$0x3FBA]  }
0x39: {  	_ = 	snop;
	(pc) =	sbr.ind lr, $3  }
0x3a: {  	_ = 	snop  }
0x3b: {  	_ = 	snop  }
0x3c: {  	p2 =	seq.s32 s10, $0x1;
	s10 =	sld [smem:$0x3FB9]  }
0x3d: {  	_ =	shalt  }
0x3e: {  	_ =	shalt  }
0x3f: {  	_ =	shalt  }
0x40: {  	_ =	shalt  }
0x41: {  	_ =	shalt  }
0x42: {  	_ =	shalt  }
0x43: {  	_ =	shalt  }
0x44: {  	_ =	shalt  }
0x45: {  	_ =	shalt  }
0x46: {  	_ =	shalt  }
0x47: {  	_ =	shalt  }
0x48: {  	_ =	shalt  }
0x49: {  	_ =	shalt  }
0x4a: {  	_ =	shalt  }
0x4b: {  	_ =	shalt  }
0x4c: {  	_ =	shalt  }
0x4d: {  	_ =	shalt  }
0x4e: {  	_ =	shalt  }
0x4f: {  	_ =	shalt  }
0x50: {  	_ =	shalt  }
0x51: {  	_ =	shalt  }
0x52: {  	_ =	shalt  }
0x53: {  	_ =	shalt  }
0x54: {  	_ =	shalt  }
0x55: {  	_ =	shalt  }
0x56: {  	_ =	shalt  }
0x57: {  	_ =	shalt  }
0x58: {  	_ =	shalt  }
0x59: {  	_ =	shalt  }
0x5a: {  	_ =	shalt  }
0x5b: {  	_ =	shalt  }
0x5c: {  	_ =	shalt  }
0x5d: {  	_ =	shalt  }
0x5e: {  	_ =	shalt  }
0x5f: {  	_ =	shalt  }
0x60: {  	_ =	shalt  }
0x61: {  	_ =	shalt  }
0x62: {  	_ =	shalt  }
0x63: {  	_ =	shalt  }
0x64: {  	_ =	shalt  }
0x65: {  	_ =	shalt  }
0x66: {  	_ =	shalt  }
0x67: {  	_ =	shalt  }
0x68: {  	_ =	shalt  }
0x69: {  	_ =	shalt  }
0x6a: {  	_ =	shalt  }
0x6b: {  	_ =	shalt  }
0x6c: {  	_ =	shalt  }
0x6d: {  	_ =	shalt  }
0x6e: {  	_ =	shalt  }
0x6f: {  	_ =	shalt  }
0x70: {  	_ =	shalt  }
0x71: {  	_ =	shalt  }
0x72: {  	_ =	shalt  }
0x73: {  	_ =	shalt  }
0x74: {  	_ =	shalt  }
0x75: {  	_ =	shalt  }
0x76: {  	_ =	shalt  }
0x77: {  	_ =	shalt  }
0x78: {  	_ =	shalt  }
0x79: {  	_ =	shalt  }
0x7a: {  	_ =	shalt  }
0x7b: {  	_ =	shalt  }
0x7c: {  	_ =	shalt  }
0x7d: {  	_ =	shalt  }
0x7e: {  	_ =	shalt  }
0x7f: {  	_ =	shalt  }
0x80: {  	_ =	shalt  }
0x81: {  	_ =	shalt  }
0x82: {  	_ =	shalt  }
0x83: {  	_ =	shalt  }
0x84: {  	_ =	shalt  }
0x85: {  	_ =	shalt  }
0x86: {  	_ =	shalt  }
0x87: {  	_ =	shalt  }
.Lfunc_end0:
.L_simem_size_0:
called_computation_lowered:
.L_overlay_start_0:
0x88: {  	s2 =	sld [smem:$0x3FD9]  }
0x89: {  	s3 =	sld [smem:$0x3FFE];
	_ =	sdelay $0x1  }
0x8a: {  	s1 =	srdreg.scid  }
0x8b: {  	s0 =	sand.u32 $0x1, s1  }
0x8c: {  	s16 =	sshll.u32 s0, $0xA;
	s2 =	sadd.s32 s3, s2  }
0x8d: {  	s2 =	sadd.s32 s2, s16  }
0x8e: {  	[smem:$0x3FC5] =	sst s2  }
0x8f: {  	_ = 	snop  }
0x90: {  	(tm) =	ssettm $0x1  }
0x91: {  	s17 =	sld [smem:$0x3FFB];
	_ =	sdelay $0x3  }
0x92: {  	_ =	strace s17  }
0x93: {  	s2 =	sld [smem:$0x3FFC];
	_ =	sdelay $0x3  }
0x94: {  	_ =	strace s2  }
0x95: {  	s2 =	sld [smem:$0x3FFD];
	_ =	sdelay $0x3  }
0x96: {  	_ =	strace s2  }
0x97: {  	_ =	strace $0x8FFFFFFF  }
0x98: {  	s18 =	sld [smem:$0x3FDB];
	_ =	sdelay $0x1  }
0x99: {  	s19 =	simm.s32 $_scs_section_size  }
0x9a: {  	s4 =	simm.s32 $_size__tile_overlayer_lowered;
	s5 =	simm.s32 $_tile_overlayer_lowered  }
0x9b: {  	s22 =	simm.s32 $0x1BFF;
	s21 =	sshll.u32 s5, $0x1;
	s2 =	sadd.s32 s19, s18  }
0x9c: {  	s6 =	simm.s32 $0x0;
	s20 =	sshll.u32 s4, $0x1;
	s4 =	sadd.s32 s21, s2  }
0x9d: {  	[timem:s6], [sflag:s22] =	dma.local [hbm:s4], s20  }
0x9e: {  	_ =	swait.ge [sflag:s22], s20  }
0x9f: {  	s3 =	ssub.s32 $0x0, s20;
	[sflag:s22] =	ssyncset.done $0x0  }
0xa0: {  	[sflag:s22] =	ssyncadd.s32 s3;
	_ =	sdelay $0x1  }
0xa1: {  	s23 =	simm.s32 $0x1B8B  }
0xa2: {  	_ =	swait.ge [sflag:s23], $0x1  }
0xa3: {  	[sflag:s23] =	ssyncset.done $0x0  }
0xa4: {  	s25 =	simm.s32 $0x1B8E;
	s24 =	sld [smem:$0x3FFE];
	[sflag:s23] =	ssyncadd.s32 $0xFFFFFFFF  }
0xa5: {  	s26 =	simm.s32 $execute0_lowered;
	[smem:$0x3FD2] =	sst s25  }
0xa6: {  	s4 =	sshll.u32 s26, $0x1;
	_ =	strace $0x80000046;
	[dreg:$0x1] =	wrdreg $0xFFFFFFFF  }
0xa7: {  	s28 =	simm.s32 $_size_execute0_lowered;
	s2 =	sadd.s32 s2, s4;
	[dreg:$0x0] =	wrdreg $0x0  }
0xa8: {  	s4 =	sshll.u32 s28, $0x1;
	[dreg:$0x2] =	wrdreg s2  }
0xa9: {  	[dreg:$0x3] =	wrdreg s4  }
0xaa: {  	[dreg:$0x4] =	wrdreg $0xC0  }
0xab: {  	_ =	task [dreg:s6], $0x5FFFF  }
0xac: {  	[dreg:$0x1] =	wrdreg $0xFFFFFFFF  }
0xad: {  	[dreg:$0x0] =	wrdreg $0x60  }
0xae: {  	[dreg:$0x2] =	wrdreg s24  }
0xaf: {  	[dreg:$0x3] =	wrdreg $0x9  }
0xb0: {  	_ =	task.clear_ibuf [dreg:s6], $0x4FFFF;
	_ =	strace $0x90000046  }
0xb1: {  	s29 =	simm.s32 $0x9;
	_ =	strace $0x80000048  }
0xb2: {  	_ =	swait.ge [sflag:s29], $0x1  }
0xb3: {  	[sflag:s29] =	ssyncadd.s32 $0xFFFFFFFF  }
0xb4: {  	_ =	strace $0x90000048  }
0xb5: {  	_ =	sfence  }
0xb6: {  	s30 =	sld [smem:$0x0];
	_ =	sdelay $0x2  }
0xb7: {  	s31 =	sshll.u32 s1, $0xD;
	s1 =	sshrl.u32 s1, $0x2  }
0xb8: {  	s3 =	sand.u32 $0x4000, s31;
	s1 =	sadd.s32 s1, s30  }
0xb9: {  	s0 =	sor.u32 s3, s0;
	s1 =	sshll.u32 s1, $0x11  }
0xba: {  	s0 =	sor.u32 s1, s0  }
0xbb: {  	s0 =	sadd.s32 $0x8F2B, s0  }
0xbc: {  	[sflag:s0] =	ssyncadd.remote.s32 $0x1  }
0xbd: {  	_ =	sfence.sel $0xFFFF  }
0xbe: {  	[dreg:$0x0] =	wrdreg $0xFFFFFFFF;
	(pc) =	sbr.abs _section_cstart, $3  }
0xbf: {  	[dreg:$0x1] =	wrdreg $0xFFFFFFFF  }
0xc0: {  	_ =	task.clear_ibuf [dreg:s6], $0x2FFFF;
	_ =	strace $0x9FFFFFFF  }
0xc1: {  	(tm) =	ssettm $0x7FFFFFFF  }
tec
execute0_lowered:
.L_overlay_start_1:
0x0: {  	(tag) =	ssettag $0x1  }
0x1: {  	s0 =	srdreg.scid  }
0x2: {  	s2 =	rddreg [dreg:$0x0];
	s10 =	simm.s32 $0x400;
	s11 =	simm.s32 $0x1  }
0x3: {  	s12 =	simm.s32 $0x4280;
	s13 =	simm.s32 $0x8500;
	s4 =	sand.u32 $0x1, s0  }
0x4: {  	s14 =	simm.s32 $0x8580;
	s0 =	stileid.u32;
	s1 =	sshll.u32 s4, $0x4  }
0x5: {  	s15 =	simm.s32 $0x8600;
	s16 =	simm.s32 $0x0;
	s3 =	sor.u32 s0, s1  }
0x6: {  	s7 =	sshll.u32 s0, $0x7;
	s4 =	ssub.s32 $0x2, s4;
	s5 =	sshrl.u32 s3, $0x3  }
0x7: {  	s1 =	rddreg [dreg:$0x1];
	s7 =	sand.u32 $0x380, s7;
	s6 =	smul.u32 $0x21400, s5  }
0x8: {  	s31 =	sshrl.u32 s4, $0x1;
	s3 =	simm.s32 $0x0;
	s5 =	sshll.u32 s5, $0xA  }
0x9: {  	s9 =	ssub.s32 s4, s31;
	s5 =	sor.u32 s7, s5;
	s6 =	sor.u32 s7, s6  }
0xa: {  	[smem:$0x7FF] =	sst s3;
	s5 =	sshrl.u32 s5, $0x3;
	s6 =	sshrl.u32 s6, $0x3  }
0xb: {  	_ =	strace $0x80000047;
	s8 =	sadd.s32 s5, s2;
	s6 =	sadd.s32 s6, s2  }
0xc: {  	v0 =	vlaneseq.u32;
	s5 =	sadd.s32 $0x11400, s8;
	s7 =	sadd.s32 $0x11800, s8;
	s4 =	sadd.s32 $0xA00, s6  }
0xd: {  	v0 =	vor.u32 $0xF0000, v0;
	s6 =	sadd.s32 $0x11600, s8;
	s8 =	smax.u32 s9, $0x1;
	s9 =	simm.s32 $0x80  }
.LBB2_1:
0xe: {  	[tilespmem:s3], [sflag:$0x1] =	stream.strided.gather [hbm4b:s4+s9], $0x4280, s10, s9, $0x38;
	[tilespmem:$0x8680] =	vst v63  }
0xf: {  	_ =	swait.ge [sflag:s11], $0x4280  }
0x10: {  	[sflag:s11] =	ssyncset.done $0x0  }
0x11: {  	[sflag:s11] =	ssyncadd.s32 $0xFFFFBD80  }
0x12: {  	[tilespmem:s12], [sflag:$0x1] =	stream.linear.gather [hbm4b:s2+s3], $0x4280, $0x38;
	[tilespmem:$0x8680] =	vst v63  }
0x13: {  	_ =	swait.ge [sflag:s11], $0x4280  }
0x14: {  	[sflag:s11] =	ssyncset.done $0x0  }
0x15: {  	[sflag:s11] =	ssyncadd.s32 $0xFFFFBD80  }
0x16: {  	[tilespmem:s13], [sflag:$0x1] =	stream.linear.gather [hbm4b:s5+s3], $0x80, $0x38;
	[tilespmem:$0x8680] =	vst v63  }
0x17: {  	_ =	swait.ge [sflag:s11], $0x80  }
0x18: {  	[sflag:s11] =	ssyncset.done $0x0  }
0x19: {  	[sflag:s11] =	ssyncadd.s32 $0xFFFFFF80  }
0x1a: {  	s17 =	simm.s32 $0x42A0;
	v1 =	vld [tilespmem:$0x8500]  }
0x1b: {  	s19 =	simm.s32 $0x20;
	v2 =	vld [tilespmem:s17+$0xFFFFFFE0]  }
0x1c: {  	v7 =	vld [tilespmem:s19+$0xFFFFFFE0]  }
0x1d: {  	v11 =	vld [tilespmem:s17+$0xFFFFFFF0]  }
0x1e: {  	v4 =	vld [tilespmem:s19+$0xFFFFFFF0]  }
0x1f: {  	v6 =	vld [tilespmem:s17+$0x0]  }
0x20: {  	v3 =	vld [tilespmem:s19+$0x0];
	v9 =	vmul.f32 v2, v1  }
0x21: {  	v5 =	vld [tilespmem:s17+$0x10]  }
0x22: {  	s18 =	simm.s32 $0x3;
	v2 =	vld [tilespmem:s19+$0x10];
	s19 =	simm.s32 $0x42E0;
	v11 =	vmul.f32 v11, v1;
	v9 =	vsub.f32 v7, v9  }
0x23: {  	v10 =	vimm.f32 $-Inf;
	v8 =	vimm.s32 $0x0;
	s21 =	simm.s32 $0xB;
	s20 =	simm.s32 $0x60;
	s17 =	simm.s32 $0x7;
	v7 =	vld [tilespmem:s19+$0xFFFFFFE0]  }
.LBB2_2:
0x24: {  	p0 =	sne.s32 s21, $0x423;
	v12 =	vld [tilespmem:s20+$0xFFFFFFE0];
	s22 =	sadd.s32 $0xFFFFFFFD, s18;
	vm0 =	vgt.f32 v9, v10;
	v11 =	vsub.f32 v4, v11;
	v6 =	vmul.f32 v6, v1;
	s23 =	smov.u32 s17  }
0x25: {  	s17 =	smov.u32 s21;
	v13 =	vld [tilespmem:s19+$0xFFFFFFF0];
	v9 =	vsel vm0, v9, v10;
	v8 =	vsel vm0, s22, v8  }
0x26: {  	s22 =	sadd.s32 $0xFFFFFFFE, s18;
	v4 =	vld [tilespmem:s20+$0xFFFFFFF0];
	vm0 =	vgt.f32 v11, v9;
	v10 =	vsub.f32 v3, v6;
	v5 =	vmul.f32 v5, v1  }
.Ltmp0:
0x27: {  	v6 =	vld [tilespmem:s19+$0x0];
	v9 =	vsel vm0, v11, v9;
	v8 =	vsel vm0, s22, v8;
	(pc) =	sbr.rel @p0 .LBB2_2-.Ltmp0, $4  }
0x28: {  	s22 =	sadd.s32 $0xFFFFFFFF, s18;
	v7 =	vmul.f32 v7, v1;
	v3 =	vld [tilespmem:s20+$0x0];
	vm0 =	vgt.f32 v10, v9;
	v14 =	vsub.f32 v2, v5  }
0x29: {  	v5 =	vld [tilespmem:s19+$0x10];
	v10 =	vsel vm0, v10, v9;
	v8 =	vsel vm0, s22, v8  }
0x2a: {  	s19 =	sadd.s32 $0x40, s19;
	v9 =	vsub.f32 v12, v7;
	v11 =	vmul.f32 v13, v1;
	v2 =	vld [tilespmem:s20+$0x10];
	vm0 =	vgt.f32 v14, v10  }
0x2b: {  	s21 =	sadd.s32 $0x4, s21;
	s20 =	sadd.s32 $0x40, s20;
	v7 =	vld [tilespmem:s19+$0xFFFFFFE0];
	v10 =	vsel vm0, v14, v10;
	v8 =	vsel vm0, s18, v8;
	s18 =	smov.u32 s23  }
0x2c: {  	v12 =	vld [tilespmem:s20+$0xFFFFFFE0];
	vm0 =	vgt.f32 v9, v10;
	v4 =	vsub.f32 v4, v11;
	v6 =	vmul.f32 v6, v1  }
0x2d: {  	v55 =	vld [tilespmem:s19+$0xFFFFFFF0];
	v9 =	vsel vm0, v9, v10  }
0x2e: {  	v56 =	vld [tilespmem:s20+$0xFFFFFFF0];
	vm1 =	vgt.f32 v4, v9;
	v3 =	vsub.f32 v3, v6;
	v5 =	vmul.f32 v5, v1  }
0x2f: {  	v57 =	vld [tilespmem:s19+$0x0];
	v4 =	vsel vm1, v4, v9  }
0x30: {  	s21 =	sadd.s32 $0xFFFFFFFD, s18;
	v58 =	vld [tilespmem:s20+$0x0];
	v7 =	vmul.f32 v7, v1;
	v2 =	vsub.f32 v2, v5;
	vm2 =	vgt.f32 v3, v4  }
0x31: {  	v60 =	vld [tilespmem:s19+$0x10];
	v59 =	vsel vm0, s21, v8;
	v3 =	vsel vm2, v3, v4  }
0x32: {  	s26 =	sadd.s32 $0xFFFFFFFE, s18;
	v61 =	vmul.f32 v55, v1;
	v7 =	vsub.f32 v12, v7;
	vm11 =	vgt.f32 v2, v3  }
0x33: {  	v62 =	vld [tilespmem:s20+$0x10];
	v5 =	vsel vm1, s26, v59;
	v2 =	vsel vm11, v2, v3  }
0x34: {  	s28 =	sadd.s32 $0xFFFFFFFF, s18;
	v6 =	vmul.f32 v57, v1;
	v3 =	vsub.f32 v56, v61;
	vm12 =	vgt.f32 v7, v2  }
0x35: {  	v5 =	vsel vm2, s28, v5;
	v2 =	vsel vm12, v7, v2  }
0x36: {  	v1 =	vmul.f32 v60, v1;
	v6 =	vsub.f32 v58, v6;
	vm13 =	vgt.f32 v3, v2  }
0x37: {  	s29 =	sadd.s32 $0xFFFFFFFD, s17;
	v63 =	vsel vm11, s18, v5;
	v2 =	vsel vm13, v3, v2  }
0x38: {  	s30 =	sadd.s32 $0xFFFFFFFE, s17;
	v1 =	vsub.f32 v62, v1;
	v3 =	vsel vm12, s29, v63;
	vm14 =	vgt.f32 v6, v2  }
0x39: {  	s31 =	sadd.s32 $0xFFFFFFFF, s17;
	v3 =	vsel vm13, s30, v3;
	v2 =	vsel vm14, v6, v2  }
0x3a: {  	v3 =	vsel vm14, s31, v3;
	vm15 =	vgt.f32 v1, v2  }
0x3b: {  	v3 =	vsel vm15, s17, v3  }
0x3c: {  	v1 =	vsel vm15, v1, v2;
	v2 =	vshll.u32 v3, $0x4  }
0x3d: {  	[tilespmem:$0x8580] =	vst v1;
	v1 =	vadd.s32 v0, v2  }
0x3e: {  	[tilespmem:$0x8600] =	vst v1  }
0x3f: {  	[hbm4b:s6+s3] =	stream.linear.scatter [tilespmem:s14], [sflag:$0x1], $0x80, $0x38;
	[tilespmem:$0x8680] =	vst v63  }
0x40: {  	s16 =	sadd.s32 $0x1, s16;
	_ =	swait.ge [sflag:s11], $0x80  }
0x41: {  	p0 =	sne.s32 s16, s8;
	[sflag:s11] =	ssyncset.done $0x0  }
.Ltmp1:
0x42: {  	[sflag:s11] =	ssyncadd.s32 $0xFFFFFF80;
	(pc) =	sbr.rel @p0 .LBB2_1-.Ltmp1, $4  }
0x43: {  	[hbm4b:s7+s3] =	stream.linear.scatter [tilespmem:s15], [sflag:$0x1], $0x80, $0x38;
	[tilespmem:$0x8680] =	vst v63  }
0x44: {  	_ =	swait.ge [sflag:s11], $0x80  }
0x45: {  	[sflag:s11] =	ssyncset.done $0x0  }
0x46: {  	[sflag:s11] =	ssyncadd.s32 $0xFFFFFF80  }
0x47: {  	_ =	sfence.sel $0x180000  }
0x48: {  	[bflag:$0x0] =	sbarrier.arrive $0xFFFF  }
0x49: {  	p0 =	sne.s32 s0, $0x0;
	_ =	strace $0x90000047  }
0x4a: {  	s0 =	sadd.s32 @!p0 $0x100000, s1;
	[bflag:$0x2] =	sbarrier.arrive $0xFFFF  }
0x4b: {  	[sflag:s0] =	ssyncadd.tile.s32 @!p0 $0x1;
	_ =	shalt  }
.Lfunc_end2:
_tile_overlayer_lowered:
.L_overlay_start_2:
0x4c: {  	(tag) =	ssettag $0x2  }
0x4d: {  	s0 =	rddreg [dreg:$0x0];
	s2 =	stileid.u32  }
0x4e: {  	s1 =	rddreg [dreg:$0x1];
	p0 =	sne.s32 s2, $0x0  }
0x4f: {  	s3 =	rddreg [dreg:$0x2];
	[bflag:$0x3] =	sbarrier.arrive $0xFFFF;
	s2 =	simm.s32 @!p0 $0x1C01  }
0x50: {  	[timem:s3], [sflag:s2] =	dma.local @!p0 [hbm:s0], s1  }
0x51: {  	s0 =	simm.s32 @!p0 $0x1  }
0x52: {  	_ =	swait.ge @!p0 [sflag:s0], s1  }
0x53: {  	s1 =	ssub.s32 @!p0 $0x0, s1;
	[sflag:s0] =	ssyncset.done @!p0 $0x0  }
0x54: {  	[sflag:s0] =	ssyncadd.s32 @!p0 s1  }
0x55: {  	[bflag:$0x3] =	sbarrier.arrive $0xFFFF  }
0x56: {  	_ =	shalt  }

</sc_bundles>
